<compile_context>
chip_gen: v7x
topology: tpu7x:2x2x1
jax: 0.10.2.dev20260603
libtpu: 0.0.44.dev20260713+nightly
codegen_flags: <defaults>
</compile_context>

<pallas_src>
import jax
import jax.numpy as jnp
from jax import lax
from jax.experimental import pallas as pl
from jax.experimental.pallas import tpu as pltpu
from jax.experimental.pallas import tpu_sc as plsc

_ROWS = 65536
_COLS = 1024
_NC = 2
_NS = 16
_NW = _NC * _NS
_RPW = _ROWS // _NW
_CH = 32
_NCHUNK = _RPW // _CH


def _sc_stream_body(x_hbm, out_hbm, buf_v, sem0, sem1):
    wid = lax.axis_index("s") * _NC + lax.axis_index("c")
    base = wid * _RPW

    def _start(chunk, b, sem):
        pltpu.async_copy(
            x_hbm.at[pl.ds(base + chunk * _CH, _CH)], buf_v.at[b], sem)

    def _wait(b, sem):
        pltpu.make_async_copy(
            x_hbm.at[pl.ds(base, _CH)], buf_v.at[b], sem).wait()

    _start(0, 0, sem0)
    _start(1, 1, sem1)

    def _pair(j, carry):
        _wait(0, sem0)
        _start(2 * j + 2, 0, sem0)
        _wait(1, sem1)
        _start(2 * j + 3, 1, sem1)
        return carry

    lax.fori_loop(0, _NCHUNK // 2 - 1, _pair, 0)
    _wait(0, sem0)
    _wait(1, sem1)

    pltpu.sync_copy(buf_v.at[0, 0, pl.ds(0, 16)],
                    out_hbm.at[pl.ds(wid * 16, 16)])


def kernel(first_cam_trap, last_cam_trap, cond_mat):
    del first_cam_trap, last_cam_trap
    mesh = plsc.VectorSubcoreMesh(core_axis_name="c", subcore_axis_name="s")
    fn = pl.kernel(
        _sc_stream_body,
        out_type=jax.ShapeDtypeStruct((_NW * 16,), jnp.float32),
        mesh=mesh,
        scratch_types=[
            pltpu.VMEM((2, _CH, _COLS), jnp.float32),
            pltpu.SemaphoreType.DMA,
            pltpu.SemaphoreType.DMA,
        ],
    )
    probe = fn(cond_mat)
    return jnp.broadcast_to(probe[:1, None], (_ROWS, 1))

# --- scband reference (transcript-rebuilt; emitter-appended) ---
"""Pipeline reference for scband-current-vector-82789789598194 (READ-ONLY COPY).

The authoritative reference and input builder live on the scoring server;
editing this copy changes nothing except your own understanding.
"""

import jax, jax.numpy as jnp
import numpy as np


def setup_inputs(seed: int = 0) -> dict:
    key = jax.random.key(seed)
    cond_mat = jax.random.normal(key, (65536, 1024), dtype=jnp.float32)
    first_cam_trap = 0
    last_cam_trap = 65535
    return {"first_cam_trap": first_cam_trap, "last_cam_trap": last_cam_trap, "cond_mat": cond_mat}


def reference(first_cam_trap, last_cam_trap, cond_mat):
    # row_sums = cond_mat.sum(dim=1).reshape(-1, 1)
    row_sums = jnp.sum(cond_mat, axis=1).reshape(-1, 1)
    # row_sums[last_cam_trap] = 0.0
    row_sums = row_sums.at[last_cam_trap].set(0.0)
    # row_sums[last_cam_trap] = -1.0 * row_sums.sum()  (sum taken AFTER zeroing)
    row_sums = row_sums.at[last_cam_trap].set(-1.0 * jnp.sum(row_sums))
    return row_sums

if __name__ == "__main__":
    import jax
    _d = setup_inputs()
    print(jax.jit(kernel)(*tuple(_d.values())))

</pallas_src>

<mosaic_0001>
#map = affine_map<(d0, d1) -> (0, 0)>
#map1 = affine_map<(d0, d1) -> (0)>
module attributes {stable_mosaic.version = 14 : i64} {
  func.func @_sc_stream_body(%arg0: i32, %arg1: i32, %arg2: memref<65536x1024xf32, #tpu.memory_space<hbm>>, %arg3: memref<512xf32, #tpu.memory_space<hbm>>, %arg4: memref<2x32x1024xf32, #tpu.memory_space<vmem>>, %arg5: memref<!tpu.dma_semaphore, #tpu.memory_space<semaphore_mem>>, %arg6: memref<!tpu.dma_semaphore, #tpu.memory_space<semaphore_mem>>) attributes {dimension_semantics = [#tpu.dimension_semantics<core_parallel>, #tpu.dimension_semantics<subcore_parallel>], iteration_bounds = array<i64: 2, 16>, scalar_prefetch = 0 : i64, scratch_operands = 3 : i64, tpu.core_type = #tpu.core_type<sc_vector_subcore>, window_params = [{transform_indices = #map}, {transform_indices = #map1}]} {
    %mul3A = arith.constant 2 : i32
    %mul3A_0 = arith.muli %arg1, %mul3A : i32
    %add3A = arith.addi %mul3A_0, %arg0 : i32
    %mul3A_1 = arith.constant 2048 : i32
    %mul3A_2 = arith.muli %add3A, %mul3A_1 : i32
    %add3A_3 = arith.constant 0 : i32
    %add3A_4 = arith.addi %mul3A_2, %add3A_3 : i32
    %dma_start3A = arith.constant 0 : i32
    %dma_start3A_5 = arith.constant 0 : i32
    %dma_start3A_6 = arith.constant 0 : i32
    %dma_start3A_7 = tpu.memref_slice %arg4[%dma_start3A, %dma_start3A_5, %dma_start3A_6] : memref<2x32x1024xf32, #tpu.memory_space<vmem>> -> memref<1x32x1024xf32, #tpu.memory_space<vmem>>
    %dma_start3A_8 = tpu.memref_squeeze %dma_start3A_7 : memref<1x32x1024xf32, #tpu.memory_space<vmem>> -> memref<32x1024xf32, #tpu.memory_space<vmem>>
    %dma_start3A_9 = arith.constant 0 : i32
    %dma_start3A_10 = tpu.memref_slice %arg2[%add3A_4, %dma_start3A_9] : memref<65536x1024xf32, #tpu.memory_space<hbm>> -> memref<32x1024xf32, #tpu.memory_space<hbm>>
    %dma_start3A_11 = arith.constant 0 : i32
    %dma_start3A_12 = arith.constant 0 : i32
    %dma_start3A_13 = tpu.memref_slice %arg4[%dma_start3A, %dma_start3A_11, %dma_start3A_12] : memref<2x32x1024xf32, #tpu.memory_space<vmem>> -> memref<1x32x1024xf32, #tpu.memory_space<vmem>>
    %dma_start3A_14 = tpu.memref_squeeze %dma_start3A_13 : memref<1x32x1024xf32, #tpu.memory_space<vmem>> -> memref<32x1024xf32, #tpu.memory_space<vmem>>
    %dma_start3A_15 = arith.constant 0 : i32
    %dma_start3A_16 = tpu.memref_slice %arg2[%add3A_4, %dma_start3A_15] : memref<65536x1024xf32, #tpu.memory_space<hbm>> -> memref<32x1024xf32, #tpu.memory_space<hbm>>
    tpu.enqueue_dma source(%dma_start3A_16 : memref<32x1024xf32, #tpu.memory_space<hbm>>) target(%dma_start3A_14 : memref<32x1024xf32, #tpu.memory_space<vmem>>) target_semaphore(%arg5 : memref<!tpu.dma_semaphore, #tpu.memory_space<semaphore_mem>>)
    %add3A_17 = arith.constant 32 : i32
    %add3A_18 = arith.addi %mul3A_2, %add3A_17 : i32
    %dma_start3A_19 = arith.constant 1 : i32
    %dma_start3A_20 = arith.constant 0 : i32
    %dma_start3A_21 = arith.constant 0 : i32
    %dma_start3A_22 = tpu.memref_slice %arg4[%dma_start3A_19, %dma_start3A_20, %dma_start3A_21] : memref<2x32x1024xf32, #tpu.memory_space<vmem>> -> memref<1x32x1024xf32, #tpu.memory_space<vmem>>
    %dma_start3A_23 = tpu.memref_squeeze %dma_start3A_22 : memref<1x32x1024xf32, #tpu.memory_space<vmem>> -> memref<32x1024xf32, #tpu.memory_space<vmem>>
    %dma_start3A_24 = arith.constant 0 : i32
    %dma_start3A_25 = tpu.memref_slice %arg2[%add3A_18, %dma_start3A_24] : memref<65536x1024xf32, #tpu.memory_space<hbm>> -> memref<32x1024xf32, #tpu.memory_space<hbm>>
    %dma_start3A_26 = arith.constant 0 : i32
    %dma_start3A_27 = arith.constant 0 : i32
    %dma_start3A_28 = tpu.memref_slice %arg4[%dma_start3A_19, %dma_start3A_26, %dma_start3A_27] : memref<2x32x1024xf32, #tpu.memory_space<vmem>> -> memref<1x32x1024xf32, #tpu.memory_space<vmem>>
    %dma_start3A_29 = tpu.memref_squeeze %dma_start3A_28 : memref<1x32x1024xf32, #tpu.memory_space<vmem>> -> memref<32x1024xf32, #tpu.memory_space<vmem>>
    %dma_start3A_30 = arith.constant 0 : i32
    %dma_start3A_31 = tpu.memref_slice %arg2[%add3A_18, %dma_start3A_30] : memref<65536x1024xf32, #tpu.memory_space<hbm>> -> memref<32x1024xf32, #tpu.memory_space<hbm>>
    tpu.enqueue_dma source(%dma_start3A_31 : memref<32x1024xf32, #tpu.memory_space<hbm>>) target(%dma_start3A_29 : memref<32x1024xf32, #tpu.memory_space<vmem>>) target_semaphore(%arg6 : memref<!tpu.dma_semaphore, #tpu.memory_space<semaphore_mem>>)
    %scan3A = arith.constant 0 : i32
    %scan3A_32 = arith.constant 0 : i32
    %scan3A_33 = arith.constant 31 : i32
    %scan3A_34 = arith.addi %scan3A_32, %scan3A_33 : i32
    %scan3A_35 = arith.constant 1 : i32
    scf.for %scan3A_65 = %scan3A_32 to %scan3A_34 step %scan3A_35  : i32 {
      %dma_wait3A_66 = arith.constant 0 : i32
      %dma_wait3A_67 = arith.constant 0 : i32
      %dma_wait3A_68 = arith.constant 0 : i32
      %dma_wait3A_69 = tpu.memref_slice %arg4[%dma_wait3A_66, %dma_wait3A_67, %dma_wait3A_68] : memref<2x32x1024xf32, #tpu.memory_space<vmem>> -> memref<1x32x1024xf32, #tpu.memory_space<vmem>>
      %dma_wait3A_70 = tpu.memref_squeeze %dma_wait3A_69 : memref<1x32x1024xf32, #tpu.memory_space<vmem>> -> memref<32x1024xf32, #tpu.memory_space<vmem>>
      %dma_wait3A_71 = arith.constant 0 : i32
      %dma_wait3A_72 = tpu.memref_slice %arg2[%mul3A_2, %dma_wait3A_71] : memref<65536x1024xf32, #tpu.memory_space<hbm>> -> memref<32x1024xf32, #tpu.memory_space<hbm>>
      %dma_wait3A_73 = arith.constant 0 : i32
      %dma_wait3A_74 = arith.constant 0 : i32
      %dma_wait3A_75 = tpu.memref_slice %arg4[%dma_wait3A_66, %dma_wait3A_73, %dma_wait3A_74] : memref<2x32x1024xf32, #tpu.memory_space<vmem>> -> memref<1x32x1024xf32, #tpu.memory_space<vmem>>
      %dma_wait3A_76 = tpu.memref_squeeze %dma_wait3A_75 : memref<1x32x1024xf32, #tpu.memory_space<vmem>> -> memref<32x1024xf32, #tpu.memory_space<vmem>>
      %dma_wait3A_77 = arith.constant 0 : i32
      %dma_wait3A_78 = tpu.memref_slice %arg2[%mul3A_2, %dma_wait3A_77] : memref<65536x1024xf32, #tpu.memory_space<hbm>> -> memref<32x1024xf32, #tpu.memory_space<hbm>>
      tpu.wait_dma2 semaphore(%arg5 : memref<!tpu.dma_semaphore, #tpu.memory_space<semaphore_mem>>) src(%dma_wait3A_78 : memref<32x1024xf32, #tpu.memory_space<hbm>>) dst(%dma_wait3A_76 : memref<32x1024xf32, #tpu.memory_space<vmem>>)
      %mul3A_79 = arith.constant 2 : i32
      %mul3A_80 = arith.muli %mul3A_79, %scan3A_65 : i32
      %add3A_81 = arith.constant 2 : i32
      %add3A_82 = arith.addi %mul3A_80, %add3A_81 : i32
      %mul3A_83 = arith.constant 32 : i32
      %mul3A_84 = arith.muli %add3A_82, %mul3A_83 : i32
      %add3A_85 = arith.addi %mul3A_2, %mul3A_84 : i32
      %dma_start3A_86 = arith.constant 0 : i32
      %dma_start3A_87 = arith.constant 0 : i32
      %dma_start3A_88 = arith.constant 0 : i32
      %dma_start3A_89 = tpu.memref_slice %arg4[%dma_start3A_86, %dma_start3A_87, %dma_start3A_88] : memref<2x32x1024xf32, #tpu.memory_space<vmem>> -> memref<1x32x1024xf32, #tpu.memory_space<vmem>>
      %dma_start3A_90 = tpu.memref_squeeze %dma_start3A_89 : memref<1x32x1024xf32, #tpu.memory_space<vmem>> -> memref<32x1024xf32, #tpu.memory_space<vmem>>
      %dma_start3A_91 = arith.constant 0 : i32
      %dma_start3A_92 = tpu.memref_slice %arg2[%add3A_85, %dma_start3A_91] : memref<65536x1024xf32, #tpu.memory_space<hbm>> -> memref<32x1024xf32, #tpu.memory_space<hbm>>
      %dma_start3A_93 = arith.constant 0 : i32
      %dma_start3A_94 = arith.constant 0 : i32
      %dma_start3A_95 = tpu.memref_slice %arg4[%dma_start3A_86, %dma_start3A_93, %dma_start3A_94] : memref<2x32x1024xf32, #tpu.memory_space<vmem>> -> memref<1x32x1024xf32, #tpu.memory_space<vmem>>
      %dma_start3A_96 = tpu.memref_squeeze %dma_start3A_95 : memref<1x32x1024xf32, #tpu.memory_space<vmem>> -> memref<32x1024xf32, #tpu.memory_space<vmem>>
      %dma_start3A_97 = arith.constant 0 : i32
      %dma_start3A_98 = tpu.memref_slice %arg2[%add3A_85, %dma_start3A_97] : memref<65536x1024xf32, #tpu.memory_space<hbm>> -> memref<32x1024xf32, #tpu.memory_space<hbm>>
      tpu.enqueue_dma source(%dma_start3A_98 : memref<32x1024xf32, #tpu.memory_space<hbm>>) target(%dma_start3A_96 : memref<32x1024xf32, #tpu.memory_space<vmem>>) target_semaphore(%arg5 : memref<!tpu.dma_semaphore, #tpu.memory_space<semaphore_mem>>)
      %dma_wait3A_99 = arith.constant 1 : i32
      %dma_wait3A_100 = arith.constant 0 : i32
      %dma_wait3A_101 = arith.constant 0 : i32
      %dma_wait3A_102 = tpu.memref_slice %arg4[%dma_wait3A_99, %dma_wait3A_100, %dma_wait3A_101] : memref<2x32x1024xf32, #tpu.memory_space<vmem>> -> memref<1x32x1024xf32, #tpu.memory_space<vmem>>
      %dma_wait3A_103 = tpu.memref_squeeze %dma_wait3A_102 : memref<1x32x1024xf32, #tpu.memory_space<vmem>> -> memref<32x1024xf32, #tpu.memory_space<vmem>>
      %dma_wait3A_104 = arith.constant 0 : i32
      %dma_wait3A_105 = tpu.memref_slice %arg2[%mul3A_2, %dma_wait3A_104] : memref<65536x1024xf32, #tpu.memory_space<hbm>> -> memref<32x1024xf32, #tpu.memory_space<hbm>>
      %dma_wait3A_106 = arith.constant 0 : i32
      %dma_wait3A_107 = arith.constant 0 : i32
      %dma_wait3A_108 = tpu.memref_slice %arg4[%dma_wait3A_99, %dma_wait3A_106, %dma_wait3A_107] : memref<2x32x1024xf32, #tpu.memory_space<vmem>> -> memref<1x32x1024xf32, #tpu.memory_space<vmem>>
      %dma_wait3A_109 = tpu.memref_squeeze %dma_wait3A_108 : memref<1x32x1024xf32, #tpu.memory_space<vmem>> -> memref<32x1024xf32, #tpu.memory_space<vmem>>
      %dma_wait3A_110 = arith.constant 0 : i32
      %dma_wait3A_111 = tpu.memref_slice %arg2[%mul3A_2, %dma_wait3A_110] : memref<65536x1024xf32, #tpu.memory_space<hbm>> -> memref<32x1024xf32, #tpu.memory_space<hbm>>
      tpu.wait_dma2 semaphore(%arg6 : memref<!tpu.dma_semaphore, #tpu.memory_space<semaphore_mem>>) src(%dma_wait3A_111 : memref<32x1024xf32, #tpu.memory_space<hbm>>) dst(%dma_wait3A_109 : memref<32x1024xf32, #tpu.memory_space<vmem>>)
      %mul3A_112 = arith.constant 2 : i32
      %mul3A_113 = arith.muli %mul3A_112, %scan3A_65 : i32
      %add3A_114 = arith.constant 3 : i32
      %add3A_115 = arith.addi %mul3A_113, %add3A_114 : i32
      %mul3A_116 = arith.constant 32 : i32
      %mul3A_117 = arith.muli %add3A_115, %mul3A_116 : i32
      %add3A_118 = arith.addi %mul3A_2, %mul3A_117 : i32
      %dma_start3A_119 = arith.constant 1 : i32
      %dma_start3A_120 = arith.constant 0 : i32
      %dma_start3A_121 = arith.constant 0 : i32
      %dma_start3A_122 = tpu.memref_slice %arg4[%dma_start3A_119, %dma_start3A_120, %dma_start3A_121] : memref<2x32x1024xf32, #tpu.memory_space<vmem>> -> memref<1x32x1024xf32, #tpu.memory_space<vmem>>
      %dma_start3A_123 = tpu.memref_squeeze %dma_start3A_122 : memref<1x32x1024xf32, #tpu.memory_space<vmem>> -> memref<32x1024xf32, #tpu.memory_space<vmem>>
      %dma_start3A_124 = arith.constant 0 : i32
      %dma_start3A_125 = tpu.memref_slice %arg2[%add3A_118, %dma_start3A_124] : memref<65536x1024xf32, #tpu.memory_space<hbm>> -> memref<32x1024xf32, #tpu.memory_space<hbm>>
      %dma_start3A_126 = arith.constant 0 : i32
      %dma_start3A_127 = arith.constant 0 : i32
      %dma_start3A_128 = tpu.memref_slice %arg4[%dma_start3A_119, %dma_start3A_126, %dma_start3A_127] : memref<2x32x1024xf32, #tpu.memory_space<vmem>> -> memref<1x32x1024xf32, #tpu.memory_space<vmem>>
      %dma_start3A_129 = tpu.memref_squeeze %dma_start3A_128 : memref<1x32x1024xf32, #tpu.memory_space<vmem>> -> memref<32x1024xf32, #tpu.memory_space<vmem>>
      %dma_start3A_130 = arith.constant 0 : i32
      %dma_start3A_131 = tpu.memref_slice %arg2[%add3A_118, %dma_start3A_130] : memref<65536x1024xf32, #tpu.memory_space<hbm>> -> memref<32x1024xf32, #tpu.memory_space<hbm>>
      tpu.enqueue_dma source(%dma_start3A_131 : memref<32x1024xf32, #tpu.memory_space<hbm>>) target(%dma_start3A_129 : memref<32x1024xf32, #tpu.memory_space<vmem>>) target_semaphore(%arg6 : memref<!tpu.dma_semaphore, #tpu.memory_space<semaphore_mem>>)
    }
    %scan3A_36 = arith.constant 31 : i32
    %dma_wait3A = arith.constant 0 : i32
    %dma_wait3A_37 = arith.constant 0 : i32
    %dma_wait3A_38 = arith.constant 0 : i32
    %dma_wait3A_39 = tpu.memref_slice %arg4[%dma_wait3A, %dma_wait3A_37, %dma_wait3A_38] : memref<2x32x1024xf32, #tpu.memory_space<vmem>> -> memref<1x32x1024xf32, #tpu.memory_space<vmem>>
    %dma_wait3A_40 = tpu.memref_squeeze %dma_wait3A_39 : memref<1x32x1024xf32, #tpu.memory_space<vmem>> -> memref<32x1024xf32, #tpu.memory_space<vmem>>
    %dma_wait3A_41 = arith.constant 0 : i32
    %dma_wait3A_42 = tpu.memref_slice %arg2[%mul3A_2, %dma_wait3A_41] : memref<65536x1024xf32, #tpu.memory_space<hbm>> -> memref<32x1024xf32, #tpu.memory_space<hbm>>
    %dma_wait3A_43 = arith.constant 0 : i32
    %dma_wait3A_44 = arith.constant 0 : i32
    %dma_wait3A_45 = tpu.memref_slice %arg4[%dma_wait3A, %dma_wait3A_43, %dma_wait3A_44] : memref<2x32x1024xf32, #tpu.memory_space<vmem>> -> memref<1x32x1024xf32, #tpu.memory_space<vmem>>
    %dma_wait3A_46 = tpu.memref_squeeze %dma_wait3A_45 : memref<1x32x1024xf32, #tpu.memory_space<vmem>> -> memref<32x1024xf32, #tpu.memory_space<vmem>>
    %dma_wait3A_47 = arith.constant 0 : i32
    %dma_wait3A_48 = tpu.memref_slice %arg2[%mul3A_2, %dma_wait3A_47] : memref<65536x1024xf32, #tpu.memory_space<hbm>> -> memref<32x1024xf32, #tpu.memory_space<hbm>>
    tpu.wait_dma2 semaphore(%arg5 : memref<!tpu.dma_semaphore, #tpu.memory_space<semaphore_mem>>) src(%dma_wait3A_48 : memref<32x1024xf32, #tpu.memory_space<hbm>>) dst(%dma_wait3A_46 : memref<32x1024xf32, #tpu.memory_space<vmem>>)
    %dma_wait3A_49 = arith.constant 1 : i32
    %dma_wait3A_50 = arith.constant 0 : i32
    %dma_wait3A_51 = arith.constant 0 : i32
    %dma_wait3A_52 = tpu.memref_slice %arg4[%dma_wait3A_49, %dma_wait3A_50, %dma_wait3A_51] : memref<2x32x1024xf32, #tpu.memory_space<vmem>> -> memref<1x32x1024xf32, #tpu.memory_space<vmem>>
    %dma_wait3A_53 = tpu.memref_squeeze %dma_wait3A_52 : memref<1x32x1024xf32, #tpu.memory_space<vmem>> -> memref<32x1024xf32, #tpu.memory_space<vmem>>
    %dma_wait3A_54 = arith.constant 0 : i32
    %dma_wait3A_55 = tpu.memref_slice %arg2[%mul3A_2, %dma_wait3A_54] : memref<65536x1024xf32, #tpu.memory_space<hbm>> -> memref<32x1024xf32, #tpu.memory_space<hbm>>
    %dma_wait3A_56 = arith.constant 0 : i32
    %dma_wait3A_57 = arith.constant 0 : i32
    %dma_wait3A_58 = tpu.memref_slice %arg4[%dma_wait3A_49, %dma_wait3A_56, %dma_wait3A_57] : memref<2x32x1024xf32, #tpu.memory_space<vmem>> -> memref<1x32x1024xf32, #tpu.memory_space<vmem>>
    %dma_wait3A_59 = tpu.memref_squeeze %dma_wait3A_58 : memref<1x32x1024xf32, #tpu.memory_space<vmem>> -> memref<32x1024xf32, #tpu.memory_space<vmem>>
    %dma_wait3A_60 = arith.constant 0 : i32
    %dma_wait3A_61 = tpu.memref_slice %arg2[%mul3A_2, %dma_wait3A_60] : memref<65536x1024xf32, #tpu.memory_space<hbm>> -> memref<32x1024xf32, #tpu.memory_space<hbm>>
    tpu.wait_dma2 semaphore(%arg6 : memref<!tpu.dma_semaphore, #tpu.memory_space<semaphore_mem>>) src(%dma_wait3A_61 : memref<32x1024xf32, #tpu.memory_space<hbm>>) dst(%dma_wait3A_59 : memref<32x1024xf32, #tpu.memory_space<vmem>>)
    %mul3A_62 = arith.constant 16 : i32
    %mul3A_63 = arith.muli %add3A, %mul3A_62 : i32
    %run_scoped3A = arith.constant 0 : i32
    %run_scoped3A_64 = arith.constant 0 : i32
    "tpu.region"() ({
      %run_scoped3A_65 = tpu.sem_alloc : memref<!tpu.dma_semaphore, #tpu.memory_space<semaphore_mem>>
      %dma_start3A_66 = arith.constant 0 : i32
      %dma_start3A_67 = tpu.memref_slice %arg4[%run_scoped3A, %run_scoped3A_64, %dma_start3A_66] : memref<2x32x1024xf32, #tpu.memory_space<vmem>> -> memref<1x1x16xf32, #tpu.memory_space<vmem>>
      %dma_start3A_68 = tpu.memref_squeeze %dma_start3A_67 : memref<1x1x16xf32, #tpu.memory_space<vmem>> -> memref<16xf32, #tpu.memory_space<vmem>>
      %dma_start3A_69 = tpu.memref_slice %arg3[%mul3A_63] : memref<512xf32, #tpu.memory_space<hbm>> -> memref<16xf32, #tpu.memory_space<hbm>>
      %dma_start3A_70 = tpu.memref_slice %arg3[%mul3A_63] : memref<512xf32, #tpu.memory_space<hbm>> -> memref<16xf32, #tpu.memory_space<hbm>>
      %dma_start3A_71 = arith.constant 0 : i32
      %dma_start3A_72 = tpu.memref_slice %arg4[%run_scoped3A, %run_scoped3A_64, %dma_start3A_71] : memref<2x32x1024xf32, #tpu.memory_space<vmem>> -> memref<1x1x16xf32, #tpu.memory_space<vmem>>
      %dma_start3A_73 = tpu.memref_squeeze %dma_start3A_72 : memref<1x1x16xf32, #tpu.memory_space<vmem>> -> memref<16xf32, #tpu.memory_space<vmem>>
      tpu.enqueue_dma source(%dma_start3A_73 : memref<16xf32, #tpu.memory_space<vmem>>) target(%dma_start3A_70 : memref<16xf32, #tpu.memory_space<hbm>>) target_semaphore(%run_scoped3A_65 : memref<!tpu.dma_semaphore, #tpu.memory_space<semaphore_mem>>)
      %dma_wait3A_74 = arith.constant 0 : i32
      %dma_wait3A_75 = tpu.memref_slice %arg4[%run_scoped3A, %run_scoped3A_64, %dma_wait3A_74] : memref<2x32x1024xf32, #tpu.memory_space<vmem>> -> memref<1x1x16xf32, #tpu.memory_space<vmem>>
      %dma_wait3A_76 = tpu.memref_squeeze %dma_wait3A_75 : memref<1x1x16xf32, #tpu.memory_space<vmem>> -> memref<16xf32, #tpu.memory_space<vmem>>
      %dma_wait3A_77 = tpu.memref_slice %arg3[%mul3A_63] : memref<512xf32, #tpu.memory_space<hbm>> -> memref<16xf32, #tpu.memory_space<hbm>>
      %dma_wait3A_78 = tpu.memref_slice %arg3[%mul3A_63] : memref<512xf32, #tpu.memory_space<hbm>> -> memref<16xf32, #tpu.memory_space<hbm>>
      %dma_wait3A_79 = arith.constant 0 : i32
      %dma_wait3A_80 = tpu.memref_slice %arg4[%run_scoped3A, %run_scoped3A_64, %dma_wait3A_79] : memref<2x32x1024xf32, #tpu.memory_space<vmem>> -> memref<1x1x16xf32, #tpu.memory_space<vmem>>
      %dma_wait3A_81 = tpu.memref_squeeze %dma_wait3A_80 : memref<1x1x16xf32, #tpu.memory_space<vmem>> -> memref<16xf32, #tpu.memory_space<vmem>>
      tpu.wait_dma2 semaphore(%run_scoped3A_65 : memref<!tpu.dma_semaphore, #tpu.memory_space<semaphore_mem>>) src(%dma_wait3A_81 : memref<16xf32, #tpu.memory_space<vmem>>) dst(%dma_wait3A_78 : memref<16xf32, #tpu.memory_space<hbm>>)
      tpu.yield
    }) : () -> ()
    return
  }
}

</mosaic_0001>

<sc_bundles>
// kernel: kernel.3.cloned.1.call-start
scs
__scs_entry_jumppad:
0x0: {  	(pc) =	sbr.rel $0x88, $3  }
0x1: {  	(tag) =	ssettag $0x0;
	lr =	simm.s32 $0x1  }
0x2: {  	[smem:$0x3FA0] =	sst lr;
	_ =	strace $0xD0000000  }
0x3: {  	_ = 	snop  }
0x4: {  	_ = 	snop  }
0x5: {  	_ = 	snop  }
0x6: {  	_ = 	snop  }
0x7: {  	_ = 	snop  }
__scs_overlays_trampoline_lowered:
0x8: {  	[smem:$0x3FAF] =	sst s0  }
0x9: {  	[smem:$0x3FB0] =	sst s1  }
0xa: {  	[smem:$0x3FB1] =	sst s2  }
0xb: {  	[smem:$0x3FB2] =	sst s3  }
0xc: {  	[smem:$0x3FB3] =	sst s4  }
0xd: {  	[smem:$0x3FB4] =	sst s5  }
0xe: {  	[smem:$0x3FB5] =	sst s6  }
0xf: {  	[smem:$0x3FB6] =	sst s7  }
0x10: {  	[smem:$0x3FB7] =	sst s8  }
0x11: {  	[smem:$0x3FB8] =	sst s9;
	s0 =	simm.s32 @!p0 $0x0  }
0x12: {  	s1 =	sld [smem:$0x3F9E];
	s0 =	simm.s32 @p0 $0x1  }
0x13: {  	[smem:$0x3FB9] =	sst s0;
	s0 =	simm.s32 @!p1 $0x0  }
0x14: {  	s2 =	sld [smem:$0x3F9D];
	s0 =	simm.s32 @p1 $0x1  }
0x15: {  	[smem:$0x3FBA] =	sst s0;
	s0 =	simm.s32 @!p2 $0x0  }
0x16: {  	s3 =	sld [smem:$0x3FDB];
	s0 =	simm.s32 @p2 $0x1  }
0x17: {  	s4 =	simm.s32 $0x1BF5;
	[smem:$0x3FBC] =	sst s0  }
0x18: {  	s0 =	sld [smem:$0x3F9F];
	_ =	swait.ge [sflag:s4], $0x0  }
0x19: {  	s7 =	sld [smem:$0x3FA0]  }
0x1a: {  	s8 =	sadd.s32 $0xFFFFE003, lr  }
0x1b: {  	s9 =	sadd.s32 $0xFFFFFEF7, lr;
	s5 =	simm.s32 $0xFFFFFFFF;
	p2 =	slt.u32 s8, $0xFFFFF086  }
0x1c: {  	p1 =	slt.u32 s9, $0xF7A;
	s5 =	simm.s32 @!p2 $0x0  }
0x1d: {  	s5 =	simm.s32 @p1 $0x1;
	p0 =	seq.s32 s7, s2  }
0x1e: {  	s7 =	smul.u32 @!p0 $0xF7A, s2;
	p2 =	seq.s32 @!p0 s5, $0x0  }
0x1f: {  	s9 =	smul.u32 $0xF7A, s1;
	s8 =	simm.s32 @!p0 $0x1BF5;
	p2 =	por !p2, p0  }
0x20: {  	[sflag:s8] =	ssyncset.s32 @!p0 $0xFFFFF086;
	s6 =	sadd.s32 @!p0 s3, s7;
	s7 =	simm.s32 @!p0 $0x108  }
0x21: {  	s3 =	sadd.s32 s3, s9;
	s6 =	sadd.s32 @!p0 $0x88, s6;
	s7 =	simm.s32 @p2 $0x1082  }
0x22: {  	[simem:s7], [sflag:s8] =	dma.local @!p0 [hbm:s6], $0xF7A  }
0x23: {  	s9 =	sor.u32 $0xD0000000, s2;
	s6 =	simm.s32 $0x108;
	_ =	swait.ge @!p0 [sflag:s8], $0x0  }
0x24: {  	s3 =	sadd.s32 $0x88, s3;
	s6 =	simm.s32 @!p1 $0x1082;
	[sflag:s4] =	ssyncset.s32 $0xFFFFF086  }
0x25: {  	[simem:s6], [sflag:s4] =	dma.local [hbm:s3], $0xF7A  }
0x26: {  	[smem:$0x3FA0] =	sst s1;
	(tag) =	ssettag s2;
	_ =	strace s9  }
0x27: {  	s1 =	sld [smem:$0x3FB0]  }
0x28: {  	s2 =	sld [smem:$0x3FB1]  }
0x29: {  	s4 =	sld [smem:$0x3FB3]  }
0x2a: {  	p0 =	seq.s32 s5, $0x0;
	s5 =	sld [smem:$0x3FB4]  }
0x2b: {  	s6 =	sld [smem:$0x3FB5]  }
0x2c: {  	s7 =	sld [smem:$0x3FB6]  }
0x2d: {  	s3 =	simm.s32 $0x108;
	s8 =	sld [smem:$0x3FB7]  }
0x2e: {  	s3 =	simm.s32 @!p0 $0x1082;
	s9 =	sld [smem:$0x3FB8]  }
0x2f: {  	lr =	sadd.s32 s0, s3;
	s0 =	sld [smem:$0x3FAF]  }
0x30: {  	s3 =	sld [smem:$0x3FB2]  }
0x31: {  	[smem:$0x3FBB] =	sst s10  }
0x32: {  	s10 =	sld [smem:$0x3FB9];
	_ =	sdelay $0x3  }
0x33: {  	p0 =	seq.s32 s10, $0x1;
	s10 =	sld [smem:$0x3FBB];
	_ =	sdelay $0x3  }
0x34: {  	[smem:$0x3FBB] =	sst s10  }
0x35: {  	s10 =	sld [smem:$0x3FBA];
	_ =	sdelay $0x3  }
0x36: {  	p1 =	seq.s32 s10, $0x1;
	s10 =	sld [smem:$0x3FBB];
	_ =	sdelay $0x3  }
0x37: {  	[smem:$0x3FBB] =	sst s10  }
0x38: {  	s10 =	sld [smem:$0x3FBC]  }
0x39: {  	_ = 	snop;
	(pc) =	sbr.ind lr, $3  }
0x3a: {  	_ = 	snop  }
0x3b: {  	_ = 	snop  }
0x3c: {  	p2 =	seq.s32 s10, $0x1;
	s10 =	sld [smem:$0x3FBB]  }
0x3d: {  	_ =	shalt  }
0x3e: {  	_ =	shalt  }
0x3f: {  	_ =	shalt  }
0x40: {  	_ =	shalt  }
0x41: {  	_ =	shalt  }
0x42: {  	_ =	shalt  }
0x43: {  	_ =	shalt  }
0x44: {  	_ =	shalt  }
0x45: {  	_ =	shalt  }
0x46: {  	_ =	shalt  }
0x47: {  	_ =	shalt  }
0x48: {  	_ =	shalt  }
0x49: {  	_ =	shalt  }
0x4a: {  	_ =	shalt  }
0x4b: {  	_ =	shalt  }
0x4c: {  	_ =	shalt  }
0x4d: {  	_ =	shalt  }
0x4e: {  	_ =	shalt  }
0x4f: {  	_ =	shalt  }
0x50: {  	_ =	shalt  }
0x51: {  	_ =	shalt  }
0x52: {  	_ =	shalt  }
0x53: {  	_ =	shalt  }
0x54: {  	_ =	shalt  }
0x55: {  	_ =	shalt  }
0x56: {  	_ =	shalt  }
0x57: {  	_ =	shalt  }
0x58: {  	_ =	shalt  }
0x59: {  	_ =	shalt  }
0x5a: {  	_ =	shalt  }
0x5b: {  	_ =	shalt  }
0x5c: {  	_ =	shalt  }
0x5d: {  	_ =	shalt  }
0x5e: {  	_ =	shalt  }
0x5f: {  	_ =	shalt  }
0x60: {  	_ =	shalt  }
0x61: {  	_ =	shalt  }
0x62: {  	_ =	shalt  }
0x63: {  	_ =	shalt  }
0x64: {  	_ =	shalt  }
0x65: {  	_ =	shalt  }
0x66: {  	_ =	shalt  }
0x67: {  	_ =	shalt  }
0x68: {  	_ =	shalt  }
0x69: {  	_ =	shalt  }
0x6a: {  	_ =	shalt  }
0x6b: {  	_ =	shalt  }
0x6c: {  	_ =	shalt  }
0x6d: {  	_ =	shalt  }
0x6e: {  	_ =	shalt  }
0x6f: {  	_ =	shalt  }
0x70: {  	_ =	shalt  }
0x71: {  	_ =	shalt  }
0x72: {  	_ =	shalt  }
0x73: {  	_ =	shalt  }
0x74: {  	_ =	shalt  }
0x75: {  	_ =	shalt  }
0x76: {  	_ =	shalt  }
0x77: {  	_ =	shalt  }
0x78: {  	_ =	shalt  }
0x79: {  	_ =	shalt  }
0x7a: {  	_ =	shalt  }
0x7b: {  	_ =	shalt  }
0x7c: {  	_ =	shalt  }
0x7d: {  	_ =	shalt  }
0x7e: {  	_ =	shalt  }
0x7f: {  	_ =	shalt  }
0x80: {  	_ =	shalt  }
0x81: {  	_ =	shalt  }
0x82: {  	_ =	shalt  }
0x83: {  	_ =	shalt  }
0x84: {  	_ =	shalt  }
0x85: {  	_ =	shalt  }
0x86: {  	_ =	shalt  }
0x87: {  	_ =	shalt  }
.Lfunc_end0:
.L_simem_size_0:
called_computation_lowered:
.L_overlay_start_0:
0x88: {  	s2 =	sld [smem:$0x3FD9]  }
0x89: {  	s3 =	sld [smem:$0x3FFE];
	_ =	sdelay $0x1  }
0x8a: {  	s1 =	srdreg.scid  }
0x8b: {  	s0 =	sand.u32 $0x1, s1  }
0x8c: {  	s18 =	sshll.u32 s0, $0xA;
	s2 =	sadd.s32 s3, s2  }
0x8d: {  	s2 =	sadd.s32 s2, s18  }
0x8e: {  	[smem:$0x3FC7] =	sst s2  }
0x8f: {  	_ = 	snop  }
0x90: {  	s2 =	sld [smem:$0x3FC9]  }
0x91: {  	s19 =	sld [smem:$0x3FD0];
	(tm) =	ssettm $0x1  }
0x92: {  	s4 =	sld [smem:$0x3FFB];
	_ =	sdelay $0x3  }
0x93: {  	_ =	strace s4  }
0x94: {  	s4 =	sld [smem:$0x3FFC];
	_ =	sdelay $0x3  }
0x95: {  	_ =	strace s4  }
0x96: {  	s4 =	sld [smem:$0x3FFD];
	_ =	sdelay $0x3  }
0x97: {  	_ =	strace s4  }
0x98: {  	_ =	strace $0x8FFFFFFF  }
0x99: {  	s20 =	sld [smem:$0x3FDB];
	_ =	sdelay $0x1  }
0x9a: {  	s5 =	simm.s32 $_scs_section_size  }
0x9b: {  	s6 =	simm.s32 $_size__tile_overlayer_lowered;
	s7 =	simm.s32 $_tile_overlayer_lowered  }
0x9c: {  	s23 =	simm.s32 $0x1BFF;
	s22 =	sshll.u32 s7, $0x1;
	s4 =	sadd.s32 s5, s20  }
0x9d: {  	s8 =	simm.s32 $0x0;
	s21 =	sshll.u32 s6, $0x1;
	s6 =	sadd.s32 s22, s4  }
0x9e: {  	[timem:s8], [sflag:s23] =	dma.local [hbm:s6], s21  }
0x9f: {  	_ =	swait.ge [sflag:s23], s21  }
0xa0: {  	s5 =	ssub.s32 $0x0, s21;
	[sflag:s23] =	ssyncset.done $0x0  }
0xa1: {  	[sflag:s23] =	ssyncadd.s32 s5;
	_ =	sdelay $0x1  }
0xa2: {  	s24 =	simm.s32 $0x1B8B  }
0xa3: {  	_ =	swait.ge [sflag:s24], $0x1  }
0xa4: {  	[sflag:s24] =	ssyncset.done $0x0  }
0xa5: {  	s25 =	simm.s32 $0x1B8E;
	[sflag:s24] =	ssyncadd.s32 $0xFFFFFFFF  }
0xa6: {  	s26 =	simm.s32 $execute0_lowered;
	[smem:$0x3FD2] =	sst s25  }
0xa7: {  	s5 =	sshll.u32 s26, $0x1;
	_ =	strace $0x80000046;
	[dreg:$0x1] =	wrdreg $0xFFFFFFFF  }
0xa8: {  	s28 =	simm.s32 $_size_execute0_lowered;
	s4 =	sadd.s32 s4, s5;
	[dreg:$0x0] =	wrdreg $0x0  }
0xa9: {  	s5 =	sshll.u32 s28, $0x1;
	[dreg:$0x2] =	wrdreg s4  }
0xaa: {  	[dreg:$0x3] =	wrdreg s5  }
0xab: {  	[dreg:$0x4] =	wrdreg $0xC0  }
0xac: {  	_ =	task [dreg:s8], $0x5FFFF  }
0xad: {  	[dreg:$0x1] =	wrdreg $0xFFFFFFFF  }
0xae: {  	[dreg:$0x0] =	wrdreg $0x60  }
0xaf: {  	[dreg:$0x2] =	wrdreg s2  }
0xb0: {  	[dreg:$0x3] =	wrdreg s19  }
0xb1: {  	[dreg:$0x4] =	wrdreg $0x9  }
0xb2: {  	_ =	task.clear_ibuf [dreg:s8], $0x5FFFF;
	_ =	strace $0x90000046  }
0xb3: {  	s29 =	simm.s32 $0x9;
	_ =	strace $0x80000048  }
0xb4: {  	_ =	swait.ge [sflag:s29], $0x1  }
0xb5: {  	[sflag:s29] =	ssyncadd.s32 $0xFFFFFFFF  }
0xb6: {  	_ =	strace $0x90000048  }
0xb7: {  	_ =	sfence  }
0xb8: {  	s30 =	sld [smem:$0x0];
	_ =	sdelay $0x2  }
0xb9: {  	s31 =	sshll.u32 s1, $0xD;
	s1 =	sshrl.u32 s1, $0x2  }
0xba: {  	s3 =	sand.u32 $0x4000, s31;
	s1 =	sadd.s32 s1, s30  }
0xbb: {  	s0 =	sor.u32 s3, s0;
	s1 =	sshll.u32 s1, $0x11  }
0xbc: {  	s0 =	sor.u32 s1, s0  }
0xbd: {  	s0 =	sadd.s32 $0x8F2B, s0  }
0xbe: {  	[sflag:s0] =	ssyncadd.remote.s32 $0x1  }
0xbf: {  	_ =	sfence.sel $0xFFFF  }
0xc0: {  	[dreg:$0x0] =	wrdreg $0xFFFFFFFF;
	(pc) =	sbr.abs _section_cstart, $3  }
0xc1: {  	[dreg:$0x1] =	wrdreg $0xFFFFFFFF  }
0xc2: {  	_ =	task.clear_ibuf [dreg:s8], $0x2FFFF;
	_ =	strace $0x9FFFFFFF  }
0xc3: {  	(tm) =	ssettm $0x7FFFFFFF  }
tec
execute0_lowered:
.L_overlay_start_1:
0x0: {  	(tag) =	ssettag $0x1  }
0x1: {  	s7 =	rddreg [dreg:$0x0]  }
0x2: {  	s5 =	rddreg [dreg:$0x1]  }
0x3: {  	s0 =	rddreg [dreg:$0x2]  }
0x4: {  	s3 =	srdreg.scid;
	s1 =	stileid.u32  }
0x5: {  	s2 =	simm.s32 $0x0;
	s11 =	simm.s32 $0x3;
	s12 =	simm.s32 $0x0  }
0x6: {  	s8 =	sand.u32 $0x1, s3;
	s29 =	sshll.u32 s1, $0x1;
	[smem:$0x7FF] =	sst s2  }
0x7: {  	s31 =	sshll.u32 s1, $0x13;
	s4 =	ssub.s32 $0x2, s8;
	s6 =	sor.u32 s8, s29  }
0x8: {  	_ =	strace $0x80000047;
	s8 =	sshll.u32 s8, $0x12;
	s30 =	sshrl.u32 s4, $0x1  }
0x9: {  	s9 =	sshll.u32 s6, $0x12;
	s6 =	sshll.u32 s6, $0x1;
	s10 =	ssub.s32 s4, s30  }
0xa: {  	s3 =	sadd.s32 s7, s9;
	s5 =	sadd.s32 s5, s6;
	s7 =	sadd.s32 s31, s7  }
0xb: {  	s9 =	simm.s32 $0x1;
	s4 =	sadd.s32 $0x1000, s3;
	s6 =	smax.u32 s10, $0x1  }
0xc: {  	s7 =	sadd.s32 s8, s7;
	s8 =	simm.s32 $0x8000;
	s10 =	simm.s32 $0x2  }
.LBB2_1:
0xd: {  	[tilespmem:s2], [sflag:$0x1] =	stream.linear.gather [hbm4b:s3+s2], $0x8000, $0x38;
	[tilespmem:$0x10000] =	vst v63  }
0xe: {  	_ = 	snop  }
0xf: {  	[tilespmem:s8], [sflag:$0x2] =	stream.linear.gather [hbm4b:s4+s2], $0x8000, $0x38;
	[tilespmem:$0x10000] =	vst v63  }
0x10: {  	_ =	swait.ge [sflag:s9], $0x8000  }
0x11: {  	s14 =	sadd.s32 $0xFFFC2000, s7;
	[sflag:s9] =	ssyncset.done $0x0  }
0x12: {  	s13 =	sadd.s32 $0x40000, s14;
	[sflag:s9] =	ssyncadd.s32 $0xFFFF8000  }
0x13: {  	[tilespmem:s2], [sflag:$0x1] =	stream.linear.gather [hbm4b:s13+s2], $0x8000, $0x38;
	[tilespmem:$0x10000] =	vst v63  }
0x14: {  	_ =	swait.ge [sflag:s10], $0x8000  }
0x15: {  	[sflag:s10] =	ssyncset.done $0x0  }
0x16: {  	s14 =	sadd.s32 $0x41000, s14;
	s13 =	simm.s32 $0xFFFC4000;
	[sflag:s10] =	ssyncadd.s32 $0xFFFF8000  }
.LBB2_2:
0x17: {  	[tilespmem:s8], [sflag:$0x2] =	stream.linear.gather [hbm4b:s14+s2], $0x8000, $0x38;
	[tilespmem:$0x10000] =	vst v63  }
0x18: {  	s14 =	smov.u32 s13  }
0x19: {  	p0 =	sne.s32 s13, $0xFFFFE000;
	s13 =	sadd.s32 $0x2000, s13;
	_ =	swait.ge [sflag:s9], $0x8000  }
0x1a: {  	s14 =	sadd.s32 s14, s7;
	[sflag:s9] =	ssyncset.done $0x0  }
.Ltmp0:
0x1b: {  	s15 =	sadd.s32 $0x40000, s14;
	[sflag:s9] =	ssyncadd.s32 $0xFFFF8000;
	(pc) =	sbr.rel @p0 .LBB2_2-.Ltmp0, $4  }
0x1c: {  	[tilespmem:s2], [sflag:$0x1] =	stream.linear.gather [hbm4b:s15+s2], $0x8000, $0x38;
	[tilespmem:$0x10000] =	vst v63  }
0x1d: {  	_ =	swait.ge [sflag:s10], $0x8000  }
0x1e: {  	[sflag:s10] =	ssyncset.done $0x0  }
0x1f: {  	s14 =	sadd.s32 $0x41000, s14;
	[sflag:s10] =	ssyncadd.s32 $0xFFFF8000  }
0x20: {  	[tilespmem:s8], [sflag:$0x2] =	stream.linear.gather [hbm4b:s14+s2], $0x8000, $0x38;
	[tilespmem:$0x10000] =	vst v63  }
0x21: {  	_ =	swait.ge [sflag:s9], $0x8000  }
0x22: {  	[sflag:s9] =	ssyncset.done $0x0  }
0x23: {  	[sflag:s9] =	ssyncadd.s32 $0xFFFF8000  }
0x24: {  	s12 =	sadd.s32 $0x1, s12;
	_ =	swait.ge [sflag:s10], $0x8000  }
0x25: {  	p0 =	sne.s32 s12, s6;
	[sflag:s10] =	ssyncset.done $0x0  }
.Ltmp1:
0x26: {  	[sflag:s10] =	ssyncadd.s32 $0xFFFF8000;
	(pc) =	sbr.rel @p0 .LBB2_1-.Ltmp1, $4  }
0x27: {  	[hbm4b:s5+s2] =	stream.linear.scatter [tilespmem:s2], [sflag:$0x3], $0x10, $0x38;
	[tilespmem:$0x10000] =	vst v63  }
0x28: {  	_ =	swait.ge [sflag:s11], $0x10  }
0x29: {  	[sflag:s11] =	ssyncset.done $0x0  }
0x2a: {  	[sflag:s11] =	ssyncadd.s32 $0xFFFFFFF0  }
0x2b: {  	_ =	sfence.sel $0x180000  }
0x2c: {  	[bflag:$0x0] =	sbarrier.arrive $0xFFFF  }
0x2d: {  	p0 =	sne.s32 s1, $0x0;
	_ =	strace $0x90000047  }
0x2e: {  	s0 =	sadd.s32 @!p0 $0x100000, s0;
	[bflag:$0x2] =	sbarrier.arrive $0xFFFF  }
0x2f: {  	[sflag:s0] =	ssyncadd.tile.s32 @!p0 $0x1;
	_ =	shalt  }
.Lfunc_end2:
_tile_overlayer_lowered:
.L_overlay_start_2:
0x30: {  	(tag) =	ssettag $0x2  }
0x31: {  	s0 =	rddreg [dreg:$0x0];
	s2 =	stileid.u32  }
0x32: {  	s1 =	rddreg [dreg:$0x1];
	p0 =	sne.s32 s2, $0x0  }
0x33: {  	s3 =	rddreg [dreg:$0x2];
	[bflag:$0x3] =	sbarrier.arrive $0xFFFF;
	s2 =	simm.s32 @!p0 $0x1C03  }
0x34: {  	[timem:s3], [sflag:s2] =	dma.local @!p0 [hbm:s0], s1  }
0x35: {  	s0 =	simm.s32 @!p0 $0x3  }
0x36: {  	_ =	swait.ge @!p0 [sflag:s0], s1  }
0x37: {  	s1 =	ssub.s32 @!p0 $0x0, s1;
	[sflag:s0] =	ssyncset.done @!p0 $0x0  }
0x38: {  	[sflag:s0] =	ssyncadd.s32 @!p0 s1  }
0x39: {  	[bflag:$0x3] =	sbarrier.arrive $0xFFFF  }
0x3a: {  	_ =	shalt  }

</sc_bundles>
